<compile_context>
chip_gen: v7x
topology: tpu7x:2x2x1
jax: 0.10.2.dev20260603
libtpu: 0.0.44.dev20260713+nightly
codegen_flags: <defaults>
</compile_context>

<pallas_src>
import functools

import jax
import jax.numpy as jnp
from jax import lax
from jax.experimental import pallas as pl
from jax.experimental.pallas import tpu as pltpu
from jax.experimental.pallas import tpu_sc as plsc

B, K, IN_DIM, OUT_DIM = 1024, 128, 1024, 100000
NC, NS, L = 2, 16, 16
NW = NC * NS
S = B // NW
CH = 32
NCH = K // CH
RG = 16
ND = IN_DIM // L
T = S * NCH

_mesh = plsc.VectorSubcoreMesh(core_axis_name="c", subcore_axis_name="s")


@functools.partial(
    pl.kernel,
    mesh=_mesh,
    out_type=jax.ShapeDtypeStruct((B, K), jnp.float32),
    scratch_types=[
        pltpu.VMEM((S, K), jnp.int32),
        pltpu.VMEM((S, IN_DIM), jnp.float32),
        pltpu.VMEM((S, K), jnp.float32),
        pltpu.VMEM((S, K), jnp.float32),
        pltpu.VMEM((2, CH, IN_DIM), jnp.float32),
        pltpu.SemaphoreType.DMA,
        pltpu.SemaphoreType.DMA,
        pltpu.SemaphoreType.DMA,
    ],
)
def _slide_sc(x_hbm, idx_hbm, w_hbm, b_hbm, out_hbm,
              idx_v, x_v, out_v, bias_v, rows_v, sem_b, sem_w0, sem_w1):
    wid = lax.axis_index("s") * NC + lax.axis_index("c")
    base = wid * S

    def w_src(t):
        s = t // NCH
        c = t % NCH
        return w_hbm.at[idx_v.at[s, pl.ds(c * CH, CH)]]

    def start(t, buf, sem):
        pltpu.async_copy(w_src(t), rows_v.at[buf], sem)

    pltpu.sync_copy(idx_hbm.at[pl.ds(base, S)], idx_v)
    start(0, 0, sem_w0)
    start(1, 1, sem_w1)
    pltpu.sync_copy(x_hbm.at[pl.ds(base, S)], x_v)


    lane = lax.iota(jnp.int32, L)
    gd = lax.GatherDimensionNumbers(
        offset_dims=(), collapsed_slice_dims=(0,), start_index_map=(0,))

    def shuf(v, idx):
        return lax.gather(v, idx[:, None], gd, slice_sizes=(1,),
                          mode=lax.GatherScatterMode.PROMISE_IN_BOUNDS)

    def hsum(v):
        for sh in (1, 2, 4, 8):
            v = v + shuf(v, lane ^ sh)
        return v

    def compute(t, buf):
        s = t // NCH
        c = t % NCH
        for r0 in range(0, CH, RG):
            def dot_step(i, accs):
                xv = x_v[s, pl.ds(i * L, L)]
                return tuple(
                    accs[j] + rows_v[buf, r0 + j, pl.ds(i * L, L)] * xv
                    for j in range(RG)
                )
            accs = lax.fori_loop(
                0, ND, dot_step,
                tuple(jnp.zeros((L,), jnp.float32) for _ in range(RG)),
            )
            vec = jnp.zeros((L,), jnp.float32)
            for j in range(RG):
                vec = jnp.where(lane == j, hsum(accs[j]), vec)
            out_v[s, pl.ds(c * CH + r0, L)] = vec

    def pair_body(g, carry):
        t0 = 2 * g
        for buf, sem in ((0, sem_w0), (1, sem_w1)):
            t = t0 + buf
            pltpu.make_async_copy(w_src(t), rows_v.at[buf], sem).wait()

            @pl.when(t + 2 < T)
            def _():
                start(t + 2, buf, sem)
        return carry

    lax.fori_loop(0, T // 2, pair_body, 0)


    def add_bias(t, carry):
        s = t // (K // L)
        j = (t % (K // L)) * L
        out_v[s, pl.ds(j, L)] = out_v[s, pl.ds(j, L)] + bias_v[s, pl.ds(j, L)]
        return carry

    lax.fori_loop(0, S * (K // L), add_bias, 0)

    pltpu.sync_copy(out_v, out_hbm.at[pl.ds(base, S)])


def kernel(in_values, active_out_indices, W, b):
    idx = active_out_indices.astype(jnp.int32)
    return _slide_sc(in_values, idx, W, b)

# --- scband reference (transcript-rebuilt; emitter-appended) ---
"""Pipeline reference for scband-py-slide-layer-352187319094 (READ-ONLY COPY).

The authoritative reference and input builder live on the scoring server;
editing this copy changes nothing except your own understanding.
"""

import jax, jax.numpy as jnp
import numpy as np

B, K, IN_DIM, OUT_DIM = 1024, 128, 1024, 100000

def setup_inputs(seed: int = 0) -> dict:
    key = jax.random.key(seed)
    k1, k2, k3, k4 = jax.random.split(key, 4)
    in_values = jax.random.normal(k1, (B, IN_DIM), dtype=jnp.float32)
    active_out_indices = jax.random.randint(k2, (B, K), 0, OUT_DIM)
    # learned parameters of nn.Linear(in_dim, out_dim): weight [out_dim, in_dim], bias [out_dim]
    W = jax.random.normal(k3, (OUT_DIM, IN_DIM), dtype=jnp.float32) * 0.02
    b = jax.random.normal(k4, (OUT_DIM,), dtype=jnp.float32) * 0.02
    return {"in_values": in_values, "active_out_indices": active_out_indices, "W": W, "b": b}

def reference(in_values, active_out_indices, W, b):
    # diso path: dense input, sparse (active) output neurons
    # active_weights = linear.weight[active_out_indices] -> [B, K, in_dim]
    active_weights = jnp.take(W, active_out_indices, axis=0)
    # active_biases = linear.bias[active_out_indices] -> [B, K]
    active_biases = jnp.take(b, active_out_indices, axis=0)
    # torch.bmm(active_weights, in_values.unsqueeze(-1)).squeeze(-1) + active_biases
    output_values = jnp.einsum('bkd,bd->bk', active_weights, in_values) + active_biases
    return output_values

if __name__ == "__main__":
    import jax
    _d = setup_inputs()
    print(jax.jit(kernel)(*tuple(_d.values())))

</pallas_src>

<mosaic_0001>
#map = affine_map<(d0, d1) -> (0, 0)>
#map1 = affine_map<(d0, d1) -> (0)>
module attributes {stable_mosaic.version = 14 : i64} {
  func.func @_slide_sc(%arg0: i32, %arg1: i32, %arg2: memref<1024x1024xf32, #tpu.memory_space<hbm>>, %arg3: memref<1024x128xi32, #tpu.memory_space<hbm>>, %arg4: memref<100000x1024xf32, #tpu.memory_space<hbm>>, %arg5: memref<100000xf32, #tpu.memory_space<hbm>>, %arg6: memref<1024x128xf32, #tpu.memory_space<hbm>>, %arg7: memref<32x128xi32, #tpu.memory_space<vmem>>, %arg8: memref<32x1024xf32, #tpu.memory_space<vmem>>, %arg9: memref<32x128xf32, #tpu.memory_space<vmem>>, %arg10: memref<32x128xf32, #tpu.memory_space<vmem>>, %arg11: memref<2x32x1024xf32, #tpu.memory_space<vmem>>, %arg12: memref<!tpu.dma_semaphore, #tpu.memory_space<semaphore_mem>>, %arg13: memref<!tpu.dma_semaphore, #tpu.memory_space<semaphore_mem>>, %arg14: memref<!tpu.dma_semaphore, #tpu.memory_space<semaphore_mem>>) attributes {dimension_semantics = [#tpu.dimension_semantics<core_parallel>, #tpu.dimension_semantics<subcore_parallel>], iteration_bounds = array<i64: 2, 16>, scalar_prefetch = 0 : i64, scratch_operands = 8 : i64, tpu.core_type = #tpu.core_type<sc_vector_subcore>, window_params = [{transform_indices = #map}, {transform_indices = #map}, {transform_indices = #map}, {transform_indices = #map1}, {transform_indices = #map}]} {
    %mul3A = arith.constant 2 : i32
    %mul3A_0 = arith.muli %arg1, %mul3A : i32
    %add3A = arith.addi %mul3A_0, %arg0 : i32
    %mul3A_1 = arith.constant 32 : i32
    %mul3A_2 = arith.muli %add3A, %mul3A_1 : i32
    "tpu.region"() ({
      %run_scoped3A = tpu.sem_alloc : memref<!tpu.dma_semaphore, #tpu.memory_space<semaphore_mem>>
      %dma_start3A_37 = arith.constant 0 : i32
      %dma_start3A_38 = tpu.memref_slice %arg3[%mul3A_2, %dma_start3A_37] : memref<1024x128xi32, #tpu.memory_space<hbm>> -> memref<32x128xi32, #tpu.memory_space<hbm>>
      %dma_start3A_39 = arith.constant 0 : i32
      %dma_start3A_40 = tpu.memref_slice %arg3[%mul3A_2, %dma_start3A_39] : memref<1024x128xi32, #tpu.memory_space<hbm>> -> memref<32x128xi32, #tpu.memory_space<hbm>>
      tpu.enqueue_dma source(%dma_start3A_40 : memref<32x128xi32, #tpu.memory_space<hbm>>) target(%arg7 : memref<32x128xi32, #tpu.memory_space<vmem>>) target_semaphore(%run_scoped3A : memref<!tpu.dma_semaphore, #tpu.memory_space<semaphore_mem>>)
      %dma_wait3A = arith.constant 0 : i32
      %dma_wait3A_41 = tpu.memref_slice %arg3[%mul3A_2, %dma_wait3A] : memref<1024x128xi32, #tpu.memory_space<hbm>> -> memref<32x128xi32, #tpu.memory_space<hbm>>
      %dma_wait3A_42 = arith.constant 0 : i32
      %dma_wait3A_43 = tpu.memref_slice %arg3[%mul3A_2, %dma_wait3A_42] : memref<1024x128xi32, #tpu.memory_space<hbm>> -> memref<32x128xi32, #tpu.memory_space<hbm>>
      tpu.wait_dma2 semaphore(%run_scoped3A : memref<!tpu.dma_semaphore, #tpu.memory_space<semaphore_mem>>) src(%dma_wait3A_43 : memref<32x128xi32, #tpu.memory_space<hbm>>) dst(%arg7 : memref<32x128xi32, #tpu.memory_space<vmem>>)
      tpu.yield
    }) : () -> ()
    %dma_start3A = arith.constant 0 : i32
    %dma_start3A_3 = arith.constant 0 : i32
    %dma_start3A_4 = arith.constant 0 : i32
    %dma_start3A_5 = arith.constant 0 : i32
    %dma_start3A_6 = tpu.memref_slice %arg11[%dma_start3A_3, %dma_start3A_4, %dma_start3A_5] : memref<2x32x1024xf32, #tpu.memory_space<vmem>> -> memref<1x32x1024xf32, #tpu.memory_space<vmem>>
    %dma_start3A_7 = tpu.memref_squeeze %dma_start3A_6 : memref<1x32x1024xf32, #tpu.memory_space<vmem>> -> memref<32x1024xf32, #tpu.memory_space<vmem>>
    %dma_start3A_8 = arith.constant 0 : i32
    %dma_start3A_9 = tpu.memref_slice %arg7[%dma_start3A, %dma_start3A_8] : memref<32x128xi32, #tpu.memory_space<vmem>> -> memref<1x32xi32, #tpu.memory_space<vmem>>
    %dma_start3A_10 = tpu.memref_squeeze %dma_start3A_9 : memref<1x32xi32, #tpu.memory_space<vmem>> -> memref<32xi32, #tpu.memory_space<vmem>>
    %dma_start3A_11 = arith.constant 0 : i32
    %dma_start3A_12 = arith.constant 0 : i32
    %dma_start3A_13 = tpu.memref_slice %arg4[%dma_start3A_11, %dma_start3A_12] : memref<100000x1024xf32, #tpu.memory_space<hbm>> -> memref<100000x1024xf32, #tpu.memory_space<hbm>>
    tpu.enqueue_indirect_dma source(%dma_start3A_13 : memref<100000x1024xf32, #tpu.memory_space<hbm>>) target(%dma_start3A_7 : memref<32x1024xf32, #tpu.memory_space<vmem>>) offsets(%dma_start3A_10 : memref<32xi32, #tpu.memory_space<vmem>>) semaphore(%arg13 : memref<!tpu.dma_semaphore, #tpu.memory_space<semaphore_mem>>)
    %dma_start3A_14 = arith.constant 0 : i32
    %dma_start3A_15 = arith.constant 1 : i32
    %dma_start3A_16 = arith.constant 0 : i32
    %dma_start3A_17 = arith.constant 0 : i32
    %dma_start3A_18 = tpu.memref_slice %arg11[%dma_start3A_15, %dma_start3A_16, %dma_start3A_17] : memref<2x32x1024xf32, #tpu.memory_space<vmem>> -> memref<1x32x1024xf32, #tpu.memory_space<vmem>>
    %dma_start3A_19 = tpu.memref_squeeze %dma_start3A_18 : memref<1x32x1024xf32, #tpu.memory_space<vmem>> -> memref<32x1024xf32, #tpu.memory_space<vmem>>
    %dma_start3A_20 = arith.constant 32 : i32
    %dma_start3A_21 = tpu.memref_slice %arg7[%dma_start3A_14, %dma_start3A_20] : memref<32x128xi32, #tpu.memory_space<vmem>> -> memref<1x32xi32, #tpu.memory_space<vmem>>
    %dma_start3A_22 = tpu.memref_squeeze %dma_start3A_21 : memref<1x32xi32, #tpu.memory_space<vmem>> -> memref<32xi32, #tpu.memory_space<vmem>>
    %dma_start3A_23 = arith.constant 0 : i32
    %dma_start3A_24 = arith.constant 0 : i32
    %dma_start3A_25 = tpu.memref_slice %arg4[%dma_start3A_23, %dma_start3A_24] : memref<100000x1024xf32, #tpu.memory_space<hbm>> -> memref<100000x1024xf32, #tpu.memory_space<hbm>>
    tpu.enqueue_indirect_dma source(%dma_start3A_25 : memref<100000x1024xf32, #tpu.memory_space<hbm>>) target(%dma_start3A_19 : memref<32x1024xf32, #tpu.memory_space<vmem>>) offsets(%dma_start3A_22 : memref<32xi32, #tpu.memory_space<vmem>>) semaphore(%arg14 : memref<!tpu.dma_semaphore, #tpu.memory_space<semaphore_mem>>)
    "tpu.region"() ({
      %run_scoped3A = tpu.sem_alloc : memref<!tpu.dma_semaphore, #tpu.memory_space<semaphore_mem>>
      %dma_start3A_37 = arith.constant 0 : i32
      %dma_start3A_38 = tpu.memref_slice %arg2[%mul3A_2, %dma_start3A_37] : memref<1024x1024xf32, #tpu.memory_space<hbm>> -> memref<32x1024xf32, #tpu.memory_space<hbm>>
      %dma_start3A_39 = arith.constant 0 : i32
      %dma_start3A_40 = tpu.memref_slice %arg2[%mul3A_2, %dma_start3A_39] : memref<1024x1024xf32, #tpu.memory_space<hbm>> -> memref<32x1024xf32, #tpu.memory_space<hbm>>
      tpu.enqueue_dma source(%dma_start3A_40 : memref<32x1024xf32, #tpu.memory_space<hbm>>) target(%arg8 : memref<32x1024xf32, #tpu.memory_space<vmem>>) target_semaphore(%run_scoped3A : memref<!tpu.dma_semaphore, #tpu.memory_space<semaphore_mem>>)
      %dma_wait3A = arith.constant 0 : i32
      %dma_wait3A_41 = tpu.memref_slice %arg2[%mul3A_2, %dma_wait3A] : memref<1024x1024xf32, #tpu.memory_space<hbm>> -> memref<32x1024xf32, #tpu.memory_space<hbm>>
      %dma_wait3A_42 = arith.constant 0 : i32
      %dma_wait3A_43 = tpu.memref_slice %arg2[%mul3A_2, %dma_wait3A_42] : memref<1024x1024xf32, #tpu.memory_space<hbm>> -> memref<32x1024xf32, #tpu.memory_space<hbm>>
      tpu.wait_dma2 semaphore(%run_scoped3A : memref<!tpu.dma_semaphore, #tpu.memory_space<semaphore_mem>>) src(%dma_wait3A_43 : memref<32x1024xf32, #tpu.memory_space<hbm>>) dst(%arg8 : memref<32x1024xf32, #tpu.memory_space<vmem>>)
      tpu.yield
    }) : () -> ()
    %iota3A = tpu.iota {dimensions = array<i32: 0>} : vector<16xi32>
    %scan3A = arith.constant 0 : i32
    %scan3A_26 = arith.constant 0 : i32
    %scan3A_27 = arith.constant 64 : i32
    %scan3A_28 = arith.addi %scan3A_26, %scan3A_27 : i32
    %scan3A_29 = arith.constant 1 : i32
    scf.for %scan3A_37 = %scan3A_26 to %scan3A_28 step %scan3A_29  : i32 {
      %mul3A_38 = arith.constant 2 : i32
      %mul3A_39 = arith.muli %mul3A_38, %scan3A_37 : i32
      %add3A_40 = arith.constant 0 : i32
      %add3A_41 = arith.addi %mul3A_39, %add3A_40 : i32
      %jit3A = arith.constant 4 : i32
      %div3A = arith.divsi %add3A_41, %jit3A : i32
      %sign3A = arith.constant 0 : i32
      %sign3A_42 = arith.cmpi sgt, %add3A_41, %sign3A : i32
      %sign3A_43 = arith.extui %sign3A_42 : i1 to i32
      %sign3A_44 = arith.constant 0 : i32
      %sign3A_45 = arith.cmpi slt, %add3A_41, %sign3A_44 : i32
      %sign3A_46 = arith.extui %sign3A_45 : i1 to i32
      %sign3A_47 = arith.subi %sign3A_43, %sign3A_46 : i32
      %sign3A_48 = arith.constant 0 : i32
      %sign3A_49 = arith.cmpi sgt, %jit3A, %sign3A_48 : i32
      %sign3A_50 = arith.extui %sign3A_49 : i1 to i32
      %sign3A_51 = arith.constant 0 : i32
      %sign3A_52 = arith.cmpi slt, %jit3A, %sign3A_51 : i32
      %sign3A_53 = arith.extui %sign3A_52 : i1 to i32
      %sign3A_54 = arith.subi %sign3A_50, %sign3A_53 : i32
      %ne3A = arith.cmpi ne, %sign3A_47, %sign3A_54 : i32
      %rem3A = arith.remsi %add3A_41, %jit3A : i32
      %ne3A_55 = arith.constant 0 : i32
      %ne3A_56 = arith.cmpi ne, %rem3A, %ne3A_55 : i32
      %and3A = arith.andi %ne3A, %ne3A_56 : i1
      %sub3A = arith.constant 1 : i32
      %sub3A_57 = arith.subi %div3A, %sub3A : i32
      %select_n3A = arith.select %and3A, %sub3A_57, %div3A : i32
      %jit3A_58 = arith.constant 4 : i32
      %eq3A = arith.constant 0 : i32
      %eq3A_59 = arith.cmpi eq, %jit3A_58, %eq3A : i32
      %jit3A_60 = arith.constant 1 : i32
      %select_n3A_61 = arith.select %eq3A_59, %jit3A_60, %jit3A_58 : i32
      %rem3A_62 = arith.remsi %add3A_41, %select_n3A_61 : i32
      %ne3A_63 = arith.constant 0 : i32
      %ne3A_64 = arith.cmpi ne, %rem3A_62, %ne3A_63 : i32
      %lt3A = arith.constant 0 : i32
      %lt3A_65 = arith.cmpi slt, %rem3A_62, %lt3A : i32
      %lt3A_66 = arith.constant 0 : i32
      %lt3A_67 = arith.cmpi slt, %select_n3A_61, %lt3A_66 : i32
      %ne3A_68 = arith.xori %lt3A_65, %lt3A_67 : i1
      %and3A_69 = arith.andi %ne3A_68, %ne3A_64 : i1
      %add3A_70 = arith.addi %rem3A_62, %select_n3A_61 : i32
      %select_n3A_71 = arith.select %and3A_69, %add3A_70, %rem3A_62 : i32
      %mul3A_72 = arith.constant 32 : i32
      %mul3A_73 = arith.muli %select_n3A_71, %mul3A_72 : i32
      %dma_wait3A = arith.constant 0 : i32
      %dma_wait3A_74 = arith.constant 0 : i32
      %dma_wait3A_75 = arith.constant 0 : i32
      %dma_wait3A_76 = tpu.memref_slice %arg11[%dma_wait3A, %dma_wait3A_74, %dma_wait3A_75] : memref<2x32x1024xf32, #tpu.memory_space<vmem>> -> memref<1x32x1024xf32, #tpu.memory_space<vmem>>
      %dma_wait3A_77 = tpu.memref_squeeze %dma_wait3A_76 : memref<1x32x1024xf32, #tpu.memory_space<vmem>> -> memref<32x1024xf32, #tpu.memory_space<vmem>>
      %dma_wait3A_78 = tpu.memref_slice %arg7[%select_n3A, %mul3A_73] : memref<32x128xi32, #tpu.memory_space<vmem>> -> memref<1x32xi32, #tpu.memory_space<vmem>>
      %dma_wait3A_79 = tpu.memref_squeeze %dma_wait3A_78 : memref<1x32xi32, #tpu.memory_space<vmem>> -> memref<32xi32, #tpu.memory_space<vmem>>
      %dma_wait3A_80 = arith.constant 0 : i32
      %dma_wait3A_81 = arith.constant 0 : i32
      %dma_wait3A_82 = tpu.memref_slice %arg4[%dma_wait3A_80, %dma_wait3A_81] : memref<100000x1024xf32, #tpu.memory_space<hbm>> -> memref<100000x1024xf32, #tpu.memory_space<hbm>>
      tpu.wait_indirect_dma semaphore(%arg13 : memref<!tpu.dma_semaphore, #tpu.memory_space<semaphore_mem>>) src(%dma_wait3A_82 : memref<100000x1024xf32, #tpu.memory_space<hbm>>) dst(%dma_wait3A_77 : memref<32x1024xf32, #tpu.memory_space<vmem>>)
      %add3A_83 = arith.constant 2 : i32
      %add3A_84 = arith.addi %add3A_41, %add3A_83 : i32
      %lt3A_85 = arith.constant 128 : i32
      %lt3A_86 = arith.cmpi slt, %add3A_84, %lt3A_85 : i32
      %convert_element_type3A = arith.extui %lt3A_86 : i1 to i32
      %cond3A = arith.constant 0 : i32
      %cond3A_87 = arith.cmpi ne, %convert_element_type3A, %cond3A : i32
      scf.if %cond3A_87 {
        %add3A_149 = arith.constant 2 : i32
        %add3A_150 = arith.addi %add3A_41, %add3A_149 : i32
        %jit3A_151 = arith.constant 4 : i32
        %div3A_152 = arith.divsi %add3A_150, %jit3A_151 : i32
        %sign3A_153 = arith.constant 0 : i32
        %sign3A_154 = arith.cmpi sgt, %add3A_150, %sign3A_153 : i32
        %sign3A_155 = arith.extui %sign3A_154 : i1 to i32
        %sign3A_156 = arith.constant 0 : i32
        %sign3A_157 = arith.cmpi slt, %add3A_150, %sign3A_156 : i32
        %sign3A_158 = arith.extui %sign3A_157 : i1 to i32
        %sign3A_159 = arith.subi %sign3A_155, %sign3A_158 : i32
        %sign3A_160 = arith.constant 0 : i32
        %sign3A_161 = arith.cmpi sgt, %jit3A_151, %sign3A_160 : i32
        %sign3A_162 = arith.extui %sign3A_161 : i1 to i32
        %sign3A_163 = arith.constant 0 : i32
        %sign3A_164 = arith.cmpi slt, %jit3A_151, %sign3A_163 : i32
        %sign3A_165 = arith.extui %sign3A_164 : i1 to i32
        %sign3A_166 = arith.subi %sign3A_162, %sign3A_165 : i32
        %ne3A_167 = arith.cmpi ne, %sign3A_159, %sign3A_166 : i32
        %rem3A_168 = arith.remsi %add3A_150, %jit3A_151 : i32
        %ne3A_169 = arith.constant 0 : i32
        %ne3A_170 = arith.cmpi ne, %rem3A_168, %ne3A_169 : i32
        %and3A_171 = arith.andi %ne3A_167, %ne3A_170 : i1
        %sub3A_172 = arith.constant 1 : i32
        %sub3A_173 = arith.subi %div3A_152, %sub3A_172 : i32
        %select_n3A_174 = arith.select %and3A_171, %sub3A_173, %div3A_152 : i32
        %jit3A_175 = arith.constant 4 : i32
        %eq3A_176 = arith.constant 0 : i32
        %eq3A_177 = arith.cmpi eq, %jit3A_175, %eq3A_176 : i32
        %jit3A_178 = arith.constant 1 : i32
        %select_n3A_179 = arith.select %eq3A_177, %jit3A_178, %jit3A_175 : i32
        %rem3A_180 = arith.remsi %add3A_150, %select_n3A_179 : i32
        %ne3A_181 = arith.constant 0 : i32
        %ne3A_182 = arith.cmpi ne, %rem3A_180, %ne3A_181 : i32
        %lt3A_183 = arith.constant 0 : i32
        %lt3A_184 = arith.cmpi slt, %rem3A_180, %lt3A_183 : i32
        %lt3A_185 = arith.constant 0 : i32
        %lt3A_186 = arith.cmpi slt, %select_n3A_179, %lt3A_185 : i32
        %ne3A_187 = arith.xori %lt3A_184, %lt3A_186 : i1
        %and3A_188 = arith.andi %ne3A_187, %ne3A_182 : i1
        %add3A_189 = arith.addi %rem3A_180, %select_n3A_179 : i32
        %select_n3A_190 = arith.select %and3A_188, %add3A_189, %rem3A_180 : i32
        %mul3A_191 = arith.constant 32 : i32
        %mul3A_192 = arith.muli %select_n3A_190, %mul3A_191 : i32
        %dma_start3A_193 = arith.constant 0 : i32
        %dma_start3A_194 = arith.constant 0 : i32
        %dma_start3A_195 = arith.constant 0 : i32
        %dma_start3A_196 = tpu.memref_slice %arg11[%dma_start3A_193, %dma_start3A_194, %dma_start3A_195] : memref<2x32x1024xf32, #tpu.memory_space<vmem>> -> memref<1x32x1024xf32, #tpu.memory_space<vmem>>
        %dma_start3A_197 = tpu.memref_squeeze %dma_start3A_196 : memref<1x32x1024xf32, #tpu.memory_space<vmem>> -> memref<32x1024xf32, #tpu.memory_space<vmem>>
        %dma_start3A_198 = tpu.memref_slice %arg7[%select_n3A_174, %mul3A_192] : memref<32x128xi32, #tpu.memory_space<vmem>> -> memref<1x32xi32, #tpu.memory_space<vmem>>
        %dma_start3A_199 = tpu.memref_squeeze %dma_start3A_198 : memref<1x32xi32, #tpu.memory_space<vmem>> -> memref<32xi32, #tpu.memory_space<vmem>>
        %dma_start3A_200 = arith.constant 0 : i32
        %dma_start3A_201 = arith.constant 0 : i32
        %dma_start3A_202 = tpu.memref_slice %arg4[%dma_start3A_200, %dma_start3A_201] : memref<100000x1024xf32, #tpu.memory_space<hbm>> -> memref<100000x1024xf32, #tpu.memory_space<hbm>>
        tpu.enqueue_indirect_dma source(%dma_start3A_202 : memref<100000x1024xf32, #tpu.memory_space<hbm>>) target(%dma_start3A_197 : memref<32x1024xf32, #tpu.memory_space<vmem>>) offsets(%dma_start3A_199 : memref<32xi32, #tpu.memory_space<vmem>>) semaphore(%arg13 : memref<!tpu.dma_semaphore, #tpu.memory_space<semaphore_mem>>)
      } else {
      }
      %add3A_88 = arith.constant 1 : i32
      %add3A_89 = arith.addi %mul3A_39, %add3A_88 : i32
      %jit3A_90 = arith.constant 4 : i32
      %div3A_91 = arith.divsi %add3A_89, %jit3A_90 : i32
      %sign3A_92 = arith.constant 0 : i32
      %sign3A_93 = arith.cmpi sgt, %add3A_89, %sign3A_92 : i32
      %sign3A_94 = arith.extui %sign3A_93 : i1 to i32
      %sign3A_95 = arith.constant 0 : i32
      %sign3A_96 = arith.cmpi slt, %add3A_89, %sign3A_95 : i32
      %sign3A_97 = arith.extui %sign3A_96 : i1 to i32
      %sign3A_98 = arith.subi %sign3A_94, %sign3A_97 : i32
      %sign3A_99 = arith.constant 0 : i32
      %sign3A_100 = arith.cmpi sgt, %jit3A_90, %sign3A_99 : i32
      %sign3A_101 = arith.extui %sign3A_100 : i1 to i32
      %sign3A_102 = arith.constant 0 : i32
      %sign3A_103 = arith.cmpi slt, %jit3A_90, %sign3A_102 : i32
      %sign3A_104 = arith.extui %sign3A_103 : i1 to i32
      %sign3A_105 = arith.subi %sign3A_101, %sign3A_104 : i32
      %ne3A_106 = arith.cmpi ne, %sign3A_98, %sign3A_105 : i32
      %rem3A_107 = arith.remsi %add3A_89, %jit3A_90 : i32
      %ne3A_108 = arith.constant 0 : i32
      %ne3A_109 = arith.cmpi ne, %rem3A_107, %ne3A_108 : i32
      %and3A_110 = arith.andi %ne3A_106, %ne3A_109 : i1
      %sub3A_111 = arith.constant 1 : i32
      %sub3A_112 = arith.subi %div3A_91, %sub3A_111 : i32
      %select_n3A_113 = arith.select %and3A_110, %sub3A_112, %div3A_91 : i32
      %jit3A_114 = arith.constant 4 : i32
      %eq3A_115 = arith.constant 0 : i32
      %eq3A_116 = arith.cmpi eq, %jit3A_114, %eq3A_115 : i32
      %jit3A_117 = arith.constant 1 : i32
      %select_n3A_118 = arith.select %eq3A_116, %jit3A_117, %jit3A_114 : i32
      %rem3A_119 = arith.remsi %add3A_89, %select_n3A_118 : i32
      %ne3A_120 = arith.constant 0 : i32
      %ne3A_121 = arith.cmpi ne, %rem3A_119, %ne3A_120 : i32
      %lt3A_122 = arith.constant 0 : i32
      %lt3A_123 = arith.cmpi slt, %rem3A_119, %lt3A_122 : i32
      %lt3A_124 = arith.constant 0 : i32
      %lt3A_125 = arith.cmpi slt, %select_n3A_118, %lt3A_124 : i32
      %ne3A_126 = arith.xori %lt3A_123, %lt3A_125 : i1
      %and3A_127 = arith.andi %ne3A_126, %ne3A_121 : i1
      %add3A_128 = arith.addi %rem3A_119, %select_n3A_118 : i32
      %select_n3A_129 = arith.select %and3A_127, %add3A_128, %rem3A_119 : i32
      %mul3A_130 = arith.constant 32 : i32
      %mul3A_131 = arith.muli %select_n3A_129, %mul3A_130 : i32
      %dma_wait3A_132 = arith.constant 1 : i32
      %dma_wait3A_133 = arith.constant 0 : i32
      %dma_wait3A_134 = arith.constant 0 : i32
      %dma_wait3A_135 = tpu.memref_slice %arg11[%dma_wait3A_132, %dma_wait3A_133, %dma_wait3A_134] : memref<2x32x1024xf32, #tpu.memory_space<vmem>> -> memref<1x32x1024xf32, #tpu.memory_space<vmem>>
      %dma_wait3A_136 = tpu.memref_squeeze %dma_wait3A_135 : memref<1x32x1024xf32, #tpu.memory_space<vmem>> -> memref<32x1024xf32, #tpu.memory_space<vmem>>
      %dma_wait3A_137 = tpu.memref_slice %arg7[%select_n3A_113, %mul3A_131] : memref<32x128xi32, #tpu.memory_space<vmem>> -> memref<1x32xi32, #tpu.memory_space<vmem>>
      %dma_wait3A_138 = tpu.memref_squeeze %dma_wait3A_137 : memref<1x32xi32, #tpu.memory_space<vmem>> -> memref<32xi32, #tpu.memory_space<vmem>>
      %dma_wait3A_139 = arith.constant 0 : i32
      %dma_wait3A_140 = arith.constant 0 : i32
      %dma_wait3A_141 = tpu.memref_slice %arg4[%dma_wait3A_139, %dma_wait3A_140] : memref<100000x1024xf32, #tpu.memory_space<hbm>> -> memref<100000x1024xf32, #tpu.memory_space<hbm>>
      tpu.wait_indirect_dma semaphore(%arg14 : memref<!tpu.dma_semaphore, #tpu.memory_space<semaphore_mem>>) src(%dma_wait3A_141 : memref<100000x1024xf32, #tpu.memory_space<hbm>>) dst(%dma_wait3A_136 : memref<32x1024xf32, #tpu.memory_space<vmem>>)
      %add3A_142 = arith.constant 2 : i32
      %add3A_143 = arith.addi %add3A_89, %add3A_142 : i32
      %lt3A_144 = arith.constant 128 : i32
      %lt3A_145 = arith.cmpi slt, %add3A_143, %lt3A_144 : i32
      %convert_element_type3A_146 = arith.extui %lt3A_145 : i1 to i32
      %cond3A_147 = arith.constant 0 : i32
      %cond3A_148 = arith.cmpi ne, %convert_element_type3A_146, %cond3A_147 : i32
      scf.if %cond3A_148 {
        %add3A_149 = arith.constant 2 : i32
        %add3A_150 = arith.addi %add3A_89, %add3A_149 : i32
        %jit3A_151 = arith.constant 4 : i32
        %div3A_152 = arith.divsi %add3A_150, %jit3A_151 : i32
        %sign3A_153 = arith.constant 0 : i32
        %sign3A_154 = arith.cmpi sgt, %add3A_150, %sign3A_153 : i32
        %sign3A_155 = arith.extui %sign3A_154 : i1 to i32
        %sign3A_156 = arith.constant 0 : i32
        %sign3A_157 = arith.cmpi slt, %add3A_150, %sign3A_156 : i32
        %sign3A_158 = arith.extui %sign3A_157 : i1 to i32
        %sign3A_159 = arith.subi %sign3A_155, %sign3A_158 : i32
        %sign3A_160 = arith.constant 0 : i32
        %sign3A_161 = arith.cmpi sgt, %jit3A_151, %sign3A_160 : i32
        %sign3A_162 = arith.extui %sign3A_161 : i1 to i32
        %sign3A_163 = arith.constant 0 : i32
        %sign3A_164 = arith.cmpi slt, %jit3A_151, %sign3A_163 : i32
        %sign3A_165 = arith.extui %sign3A_164 : i1 to i32
        %sign3A_166 = arith.subi %sign3A_162, %sign3A_165 : i32
        %ne3A_167 = arith.cmpi ne, %sign3A_159, %sign3A_166 : i32
        %rem3A_168 = arith.remsi %add3A_150, %jit3A_151 : i32
        %ne3A_169 = arith.constant 0 : i32
        %ne3A_170 = arith.cmpi ne, %rem3A_168, %ne3A_169 : i32
        %and3A_171 = arith.andi %ne3A_167, %ne3A_170 : i1
        %sub3A_172 = arith.constant 1 : i32
        %sub3A_173 = arith.subi %div3A_152, %sub3A_172 : i32
        %select_n3A_174 = arith.select %and3A_171, %sub3A_173, %div3A_152 : i32
        %jit3A_175 = arith.constant 4 : i32
        %eq3A_176 = arith.constant 0 : i32
        %eq3A_177 = arith.cmpi eq, %jit3A_175, %eq3A_176 : i32
        %jit3A_178 = arith.constant 1 : i32
        %select_n3A_179 = arith.select %eq3A_177, %jit3A_178, %jit3A_175 : i32
        %rem3A_180 = arith.remsi %add3A_150, %select_n3A_179 : i32
        %ne3A_181 = arith.constant 0 : i32
        %ne3A_182 = arith.cmpi ne, %rem3A_180, %ne3A_181 : i32
        %lt3A_183 = arith.constant 0 : i32
        %lt3A_184 = arith.cmpi slt, %rem3A_180, %lt3A_183 : i32
        %lt3A_185 = arith.constant 0 : i32
        %lt3A_186 = arith.cmpi slt, %select_n3A_179, %lt3A_185 : i32
        %ne3A_187 = arith.xori %lt3A_184, %lt3A_186 : i1
        %and3A_188 = arith.andi %ne3A_187, %ne3A_182 : i1
        %add3A_189 = arith.addi %rem3A_180, %select_n3A_179 : i32
        %select_n3A_190 = arith.select %and3A_188, %add3A_189, %rem3A_180 : i32
        %mul3A_191 = arith.constant 32 : i32
        %mul3A_192 = arith.muli %select_n3A_190, %mul3A_191 : i32
        %dma_start3A_193 = arith.constant 1 : i32
        %dma_start3A_194 = arith.constant 0 : i32
        %dma_start3A_195 = arith.constant 0 : i32
        %dma_start3A_196 = tpu.memref_slice %arg11[%dma_start3A_193, %dma_start3A_194, %dma_start3A_195] : memref<2x32x1024xf32, #tpu.memory_space<vmem>> -> memref<1x32x1024xf32, #tpu.memory_space<vmem>>
        %dma_start3A_197 = tpu.memref_squeeze %dma_start3A_196 : memref<1x32x1024xf32, #tpu.memory_space<vmem>> -> memref<32x1024xf32, #tpu.memory_space<vmem>>
        %dma_start3A_198 = tpu.memref_slice %arg7[%select_n3A_174, %mul3A_192] : memref<32x128xi32, #tpu.memory_space<vmem>> -> memref<1x32xi32, #tpu.memory_space<vmem>>
        %dma_start3A_199 = tpu.memref_squeeze %dma_start3A_198 : memref<1x32xi32, #tpu.memory_space<vmem>> -> memref<32xi32, #tpu.memory_space<vmem>>
        %dma_start3A_200 = arith.constant 0 : i32
        %dma_start3A_201 = arith.constant 0 : i32
        %dma_start3A_202 = tpu.memref_slice %arg4[%dma_start3A_200, %dma_start3A_201] : memref<100000x1024xf32, #tpu.memory_space<hbm>> -> memref<100000x1024xf32, #tpu.memory_space<hbm>>
        tpu.enqueue_indirect_dma source(%dma_start3A_202 : memref<100000x1024xf32, #tpu.memory_space<hbm>>) target(%dma_start3A_197 : memref<32x1024xf32, #tpu.memory_space<vmem>>) offsets(%dma_start3A_199 : memref<32xi32, #tpu.memory_space<vmem>>) semaphore(%arg14 : memref<!tpu.dma_semaphore, #tpu.memory_space<semaphore_mem>>)
      } else {
      }
    }
    %scan3A_30 = arith.constant 64 : i32
    %scan3A_31 = arith.constant 0 : i32
    %scan3A_32 = arith.constant 0 : i32
    %scan3A_33 = arith.constant 256 : i32
    %scan3A_34 = arith.addi %scan3A_32, %scan3A_33 : i32
    %scan3A_35 = arith.constant 1 : i32
    scf.for %scan3A_37 = %scan3A_32 to %scan3A_34 step %scan3A_35  : i32 {
      %jit3A = arith.constant 8 : i32
      %div3A = arith.divsi %scan3A_37, %jit3A : i32
      %sign3A = arith.constant 0 : i32
      %sign3A_38 = arith.cmpi sgt, %scan3A_37, %sign3A : i32
      %sign3A_39 = arith.extui %sign3A_38 : i1 to i32
      %sign3A_40 = arith.constant 0 : i32
      %sign3A_41 = arith.cmpi slt, %scan3A_37, %sign3A_40 : i32
      %sign3A_42 = arith.extui %sign3A_41 : i1 to i32
      %sign3A_43 = arith.subi %sign3A_39, %sign3A_42 : i32
      %sign3A_44 = arith.constant 0 : i32
      %sign3A_45 = arith.cmpi sgt, %jit3A, %sign3A_44 : i32
      %sign3A_46 = arith.extui %sign3A_45 : i1 to i32
      %sign3A_47 = arith.constant 0 : i32
      %sign3A_48 = arith.cmpi slt, %jit3A, %sign3A_47 : i32
      %sign3A_49 = arith.extui %sign3A_48 : i1 to i32
      %sign3A_50 = arith.subi %sign3A_46, %sign3A_49 : i32
      %ne3A = arith.cmpi ne, %sign3A_43, %sign3A_50 : i32
      %rem3A = arith.remsi %scan3A_37, %jit3A : i32
      %ne3A_51 = arith.constant 0 : i32
      %ne3A_52 = arith.cmpi ne, %rem3A, %ne3A_51 : i32
      %and3A = arith.andi %ne3A, %ne3A_52 : i1
      %sub3A = arith.constant 1 : i32
      %sub3A_53 = arith.subi %div3A, %sub3A : i32
      %select_n3A = arith.select %and3A, %sub3A_53, %div3A : i32
      %jit3A_54 = arith.constant 8 : i32
      %eq3A = arith.constant 0 : i32
      %eq3A_55 = arith.cmpi eq, %jit3A_54, %eq3A : i32
      %jit3A_56 = arith.constant 1 : i32
      %select_n3A_57 = arith.select %eq3A_55, %jit3A_56, %jit3A_54 : i32
      %rem3A_58 = arith.remsi %scan3A_37, %select_n3A_57 : i32
      %ne3A_59 = arith.constant 0 : i32
      %ne3A_60 = arith.cmpi ne, %rem3A_58, %ne3A_59 : i32
      %lt3A = arith.constant 0 : i32
      %lt3A_61 = arith.cmpi slt, %rem3A_58, %lt3A : i32
      %lt3A_62 = arith.constant 0 : i32
      %lt3A_63 = arith.cmpi slt, %select_n3A_57, %lt3A_62 : i32
      %ne3A_64 = arith.xori %lt3A_61, %lt3A_63 : i1
      %and3A_65 = arith.andi %ne3A_64, %ne3A_60 : i1
      %add3A_66 = arith.addi %rem3A_58, %select_n3A_57 : i32
      %select_n3A_67 = arith.select %and3A_65, %add3A_66, %rem3A_58 : i32
      %mul3A_68 = arith.constant 16 : i32
      %mul3A_69 = arith.muli %select_n3A_67, %mul3A_68 : i32
      %get3A = arith.index_cast %select_n3A : i32 to index
      %get3A_70 = arith.index_cast %mul3A_69 : i32 to index
      %get3A_71 = tpu.vector_load %arg9[%get3A, %get3A_70] {strides = array<i32>} : memref<32x128xf32, #tpu.memory_space<vmem>>, vector<1x16xf32>,
      %get3A_72 = vector.shape_cast %get3A_71 : vector<1x16xf32> to vector<16xf32>
      %get3A_73 = arith.index_cast %select_n3A : i32 to index
      %get3A_74 = arith.index_cast %mul3A_69 : i32 to index
      %get3A_75 = tpu.vector_load %arg10[%get3A_73, %get3A_74] {strides = array<i32>} : memref<32x128xf32, #tpu.memory_space<vmem>>, vector<1x16xf32>,
      %get3A_76 = vector.shape_cast %get3A_75 : vector<1x16xf32> to vector<16xf32>
      %add3A_77 = arith.addf %get3A_72, %get3A_76 : vector<16xf32>
      %swap3A = arith.index_cast %select_n3A : i32 to index
      %swap3A_78 = arith.index_cast %mul3A_69 : i32 to index
      %swap3A_79 = tpu.vector_load %arg9[%swap3A, %swap3A_78] {strides = array<i32>} : memref<32x128xf32, #tpu.memory_space<vmem>>, vector<1x16xf32>,
      %swap3A_80 = vector.shape_cast %swap3A_79 : vector<1x16xf32> to vector<16xf32>
      %swap3A_81 = vector.shape_cast %add3A_77 : vector<16xf32> to vector<1x16xf32>
      tpu.vector_store %arg9[%swap3A, %swap3A_78], %swap3A_81 {strides = array<i32>} : memref<32x128xf32, #tpu.memory_space<vmem>>, vector<1x16xf32>,
    }
    %scan3A_36 = arith.constant 256 : i32
    "tpu.region"() ({
      %run_scoped3A = tpu.sem_alloc : memref<!tpu.dma_semaphore, #tpu.memory_space<semaphore_mem>>
      %dma_start3A_37 = arith.constant 0 : i32
      %dma_start3A_38 = tpu.memref_slice %arg6[%mul3A_2, %dma_start3A_37] : memref<1024x128xf32, #tpu.memory_space<hbm>> -> memref<32x128xf32, #tpu.memory_space<hbm>>
      %dma_start3A_39 = arith.constant 0 : i32
      %dma_start3A_40 = tpu.memref_slice %arg6[%mul3A_2, %dma_start3A_39] : memref<1024x128xf32, #tpu.memory_space<hbm>> -> memref<32x128xf32, #tpu.memory_space<hbm>>
      tpu.enqueue_dma source(%arg9 : memref<32x128xf32, #tpu.memory_space<vmem>>) target(%dma_start3A_40 : memref<32x128xf32, #tpu.memory_space<hbm>>) target_semaphore(%run_scoped3A : memref<!tpu.dma_semaphore, #tpu.memory_space<semaphore_mem>>)
      %dma_wait3A = arith.constant 0 : i32
      %dma_wait3A_41 = tpu.memref_slice %arg6[%mul3A_2, %dma_wait3A] : memref<1024x128xf32, #tpu.memory_space<hbm>> -> memref<32x128xf32, #tpu.memory_space<hbm>>
      %dma_wait3A_42 = arith.constant 0 : i32
      %dma_wait3A_43 = tpu.memref_slice %arg6[%mul3A_2, %dma_wait3A_42] : memref<1024x128xf32, #tpu.memory_space<hbm>> -> memref<32x128xf32, #tpu.memory_space<hbm>>
      tpu.wait_dma2 semaphore(%run_scoped3A : memref<!tpu.dma_semaphore, #tpu.memory_space<semaphore_mem>>) src(%arg9 : memref<32x128xf32, #tpu.memory_space<vmem>>) dst(%dma_wait3A_43 : memref<32x128xf32, #tpu.memory_space<hbm>>)
      tpu.yield
    }) : () -> ()
    return
  }
}

</mosaic_0001>

<sc_bundles>
// kernel: kernel.3.cloned.1.call-start
scs
__scs_entry_jumppad:
0x0: {  	(pc) =	sbr.rel $0x88, $3  }
0x1: {  	(tag) =	ssettag $0x0;
	lr =	simm.s32 $0x1  }
0x2: {  	[smem:$0x3F9D] =	sst lr;
	_ =	strace $0xD0000000  }
0x3: {  	_ = 	snop  }
0x4: {  	_ = 	snop  }
0x5: {  	_ = 	snop  }
0x6: {  	_ = 	snop  }
0x7: {  	_ = 	snop  }
__scs_overlays_trampoline_lowered:
0x8: {  	[smem:$0x3FAC] =	sst s0  }
0x9: {  	[smem:$0x3FAD] =	sst s1  }
0xa: {  	[smem:$0x3FAE] =	sst s2  }
0xb: {  	[smem:$0x3FAF] =	sst s3  }
0xc: {  	[smem:$0x3FB0] =	sst s4  }
0xd: {  	[smem:$0x3FB1] =	sst s5  }
0xe: {  	[smem:$0x3FB2] =	sst s6  }
0xf: {  	[smem:$0x3FB3] =	sst s7  }
0x10: {  	[smem:$0x3FB4] =	sst s8  }
0x11: {  	[smem:$0x3FB5] =	sst s9;
	s0 =	simm.s32 @!p0 $0x0  }
0x12: {  	s1 =	sld [smem:$0x3F9B];
	s0 =	simm.s32 @p0 $0x1  }
0x13: {  	[smem:$0x3FB6] =	sst s0;
	s0 =	simm.s32 @!p1 $0x0  }
0x14: {  	s2 =	sld [smem:$0x3F9A];
	s0 =	simm.s32 @p1 $0x1  }
0x15: {  	[smem:$0x3FB7] =	sst s0;
	s0 =	simm.s32 @!p2 $0x0  }
0x16: {  	s3 =	sld [smem:$0x3FDB];
	s0 =	simm.s32 @p2 $0x1  }
0x17: {  	s4 =	simm.s32 $0x1BF5;
	[smem:$0x3FB9] =	sst s0  }
0x18: {  	s0 =	sld [smem:$0x3F9C];
	_ =	swait.ge [sflag:s4], $0x0  }
0x19: {  	s7 =	sld [smem:$0x3F9D]  }
0x1a: {  	s8 =	sadd.s32 $0xFFFFE003, lr  }
0x1b: {  	s9 =	sadd.s32 $0xFFFFFEF7, lr;
	s5 =	simm.s32 $0xFFFFFFFF;
	p2 =	slt.u32 s8, $0xFFFFF086  }
0x1c: {  	p1 =	slt.u32 s9, $0xF7A;
	s5 =	simm.s32 @!p2 $0x0  }
0x1d: {  	s5 =	simm.s32 @p1 $0x1;
	p0 =	seq.s32 s7, s2  }
0x1e: {  	s7 =	smul.u32 @!p0 $0xF7A, s2;
	p2 =	seq.s32 @!p0 s5, $0x0  }
0x1f: {  	s9 =	smul.u32 $0xF7A, s1;
	s8 =	simm.s32 @!p0 $0x1BF5;
	p2 =	por !p2, p0  }
0x20: {  	[sflag:s8] =	ssyncset.s32 @!p0 $0xFFFFF086;
	s6 =	sadd.s32 @!p0 s3, s7;
	s7 =	simm.s32 @!p0 $0x108  }
0x21: {  	s3 =	sadd.s32 s3, s9;
	s6 =	sadd.s32 @!p0 $0x88, s6;
	s7 =	simm.s32 @p2 $0x1082  }
0x22: {  	[simem:s7], [sflag:s8] =	dma.local @!p0 [hbm:s6], $0xF7A  }
0x23: {  	s9 =	sor.u32 $0xD0000000, s2;
	s6 =	simm.s32 $0x108;
	_ =	swait.ge @!p0 [sflag:s8], $0x0  }
0x24: {  	s3 =	sadd.s32 $0x88, s3;
	s6 =	simm.s32 @!p1 $0x1082;
	[sflag:s4] =	ssyncset.s32 $0xFFFFF086  }
0x25: {  	[simem:s6], [sflag:s4] =	dma.local [hbm:s3], $0xF7A  }
0x26: {  	[smem:$0x3F9D] =	sst s1;
	(tag) =	ssettag s2;
	_ =	strace s9  }
0x27: {  	s1 =	sld [smem:$0x3FAD]  }
0x28: {  	s2 =	sld [smem:$0x3FAE]  }
0x29: {  	s4 =	sld [smem:$0x3FB0]  }
0x2a: {  	p0 =	seq.s32 s5, $0x0;
	s5 =	sld [smem:$0x3FB1]  }
0x2b: {  	s6 =	sld [smem:$0x3FB2]  }
0x2c: {  	s7 =	sld [smem:$0x3FB3]  }
0x2d: {  	s3 =	simm.s32 $0x108;
	s8 =	sld [smem:$0x3FB4]  }
0x2e: {  	s3 =	simm.s32 @!p0 $0x1082;
	s9 =	sld [smem:$0x3FB5]  }
0x2f: {  	lr =	sadd.s32 s0, s3;
	s0 =	sld [smem:$0x3FAC]  }
0x30: {  	s3 =	sld [smem:$0x3FAF]  }
0x31: {  	[smem:$0x3FB8] =	sst s10  }
0x32: {  	s10 =	sld [smem:$0x3FB6];
	_ =	sdelay $0x3  }
0x33: {  	p0 =	seq.s32 s10, $0x1;
	s10 =	sld [smem:$0x3FB8];
	_ =	sdelay $0x3  }
0x34: {  	[smem:$0x3FB8] =	sst s10  }
0x35: {  	s10 =	sld [smem:$0x3FB7];
	_ =	sdelay $0x3  }
0x36: {  	p1 =	seq.s32 s10, $0x1;
	s10 =	sld [smem:$0x3FB8];
	_ =	sdelay $0x3  }
0x37: {  	[smem:$0x3FB8] =	sst s10  }
0x38: {  	s10 =	sld [smem:$0x3FB9]  }
0x39: {  	_ = 	snop;
	(pc) =	sbr.ind lr, $3  }
0x3a: {  	_ = 	snop  }
0x3b: {  	_ = 	snop  }
0x3c: {  	p2 =	seq.s32 s10, $0x1;
	s10 =	sld [smem:$0x3FB8]  }
0x3d: {  	_ =	shalt  }
0x3e: {  	_ =	shalt  }
0x3f: {  	_ =	shalt  }
0x40: {  	_ =	shalt  }
0x41: {  	_ =	shalt  }
0x42: {  	_ =	shalt  }
0x43: {  	_ =	shalt  }
0x44: {  	_ =	shalt  }
0x45: {  	_ =	shalt  }
0x46: {  	_ =	shalt  }
0x47: {  	_ =	shalt  }
0x48: {  	_ =	shalt  }
0x49: {  	_ =	shalt  }
0x4a: {  	_ =	shalt  }
0x4b: {  	_ =	shalt  }
0x4c: {  	_ =	shalt  }
0x4d: {  	_ =	shalt  }
0x4e: {  	_ =	shalt  }
0x4f: {  	_ =	shalt  }
0x50: {  	_ =	shalt  }
0x51: {  	_ =	shalt  }
0x52: {  	_ =	shalt  }
0x53: {  	_ =	shalt  }
0x54: {  	_ =	shalt  }
0x55: {  	_ =	shalt  }
0x56: {  	_ =	shalt  }
0x57: {  	_ =	shalt  }
0x58: {  	_ =	shalt  }
0x59: {  	_ =	shalt  }
0x5a: {  	_ =	shalt  }
0x5b: {  	_ =	shalt  }
0x5c: {  	_ =	shalt  }
0x5d: {  	_ =	shalt  }
0x5e: {  	_ =	shalt  }
0x5f: {  	_ =	shalt  }
0x60: {  	_ =	shalt  }
0x61: {  	_ =	shalt  }
0x62: {  	_ =	shalt  }
0x63: {  	_ =	shalt  }
0x64: {  	_ =	shalt  }
0x65: {  	_ =	shalt  }
0x66: {  	_ =	shalt  }
0x67: {  	_ =	shalt  }
0x68: {  	_ =	shalt  }
0x69: {  	_ =	shalt  }
0x6a: {  	_ =	shalt  }
0x6b: {  	_ =	shalt  }
0x6c: {  	_ =	shalt  }
0x6d: {  	_ =	shalt  }
0x6e: {  	_ =	shalt  }
0x6f: {  	_ =	shalt  }
0x70: {  	_ =	shalt  }
0x71: {  	_ =	shalt  }
0x72: {  	_ =	shalt  }
0x73: {  	_ =	shalt  }
0x74: {  	_ =	shalt  }
0x75: {  	_ =	shalt  }
0x76: {  	_ =	shalt  }
0x77: {  	_ =	shalt  }
0x78: {  	_ =	shalt  }
0x79: {  	_ =	shalt  }
0x7a: {  	_ =	shalt  }
0x7b: {  	_ =	shalt  }
0x7c: {  	_ =	shalt  }
0x7d: {  	_ =	shalt  }
0x7e: {  	_ =	shalt  }
0x7f: {  	_ =	shalt  }
0x80: {  	_ =	shalt  }
0x81: {  	_ =	shalt  }
0x82: {  	_ =	shalt  }
0x83: {  	_ =	shalt  }
0x84: {  	_ =	shalt  }
0x85: {  	_ =	shalt  }
0x86: {  	_ =	shalt  }
0x87: {  	_ =	shalt  }
.Lfunc_end0:
.L_simem_size_0:
called_computation_lowered:
.L_overlay_start_0:
0x88: {  	s2 =	sld [smem:$0x3FD9]  }
0x89: {  	s3 =	sld [smem:$0x3FFE];
	_ =	sdelay $0x1  }
0x8a: {  	s1 =	srdreg.scid  }
0x8b: {  	s0 =	sand.u32 $0x1, s1  }
0x8c: {  	s18 =	sshll.u32 s0, $0xA;
	s2 =	sadd.s32 s3, s2  }
0x8d: {  	s2 =	sadd.s32 s2, s18  }
0x8e: {  	[smem:$0x3FC4] =	sst s2  }
0x8f: {  	_ = 	snop  }
0x90: {  	s2 =	sld [smem:$0x3FC9]  }
0x91: {  	s19 =	sld [smem:$0x3FC8]  }
0x92: {  	s4 =	sld [smem:$0x3FC7]  }
0x93: {  	s5 =	sld [smem:$0x3FD0];
	(tm) =	ssettm $0x1  }
0x94: {  	s6 =	sld [smem:$0x3FFB];
	_ =	sdelay $0x3  }
0x95: {  	_ =	strace s6  }
0x96: {  	s6 =	sld [smem:$0x3FFC];
	_ =	sdelay $0x3  }
0x97: {  	_ =	strace s6  }
0x98: {  	s6 =	sld [smem:$0x3FFD];
	_ =	sdelay $0x3  }
0x99: {  	_ =	strace s6  }
0x9a: {  	_ =	strace $0x8FFFFFFF  }
0x9b: {  	s20 =	sld [smem:$0x3FDB];
	_ =	sdelay $0x1  }
0x9c: {  	s7 =	simm.s32 $_scs_section_size  }
0x9d: {  	s8 =	simm.s32 $_size__tile_overlayer_lowered;
	s9 =	simm.s32 $_tile_overlayer_lowered  }
0x9e: {  	s23 =	simm.s32 $0x1BFF;
	s22 =	sshll.u32 s9, $0x1;
	s6 =	sadd.s32 s7, s20  }
0x9f: {  	s10 =	simm.s32 $0x0;
	s21 =	sshll.u32 s8, $0x1;
	s8 =	sadd.s32 s22, s6  }
0xa0: {  	[timem:s10], [sflag:s23] =	dma.local [hbm:s8], s21  }
0xa1: {  	_ =	swait.ge [sflag:s23], s21  }
0xa2: {  	s7 =	ssub.s32 $0x0, s21;
	[sflag:s23] =	ssyncset.done $0x0  }
0xa3: {  	[sflag:s23] =	ssyncadd.s32 s7;
	_ =	sdelay $0x1  }
0xa4: {  	s24 =	simm.s32 $0x1B8B  }
0xa5: {  	_ =	swait.ge [sflag:s24], $0x1  }
0xa6: {  	[sflag:s24] =	ssyncset.done $0x0  }
0xa7: {  	s25 =	simm.s32 $0x1B8E;
	[sflag:s24] =	ssyncadd.s32 $0xFFFFFFFF  }
0xa8: {  	s26 =	simm.s32 $execute0_lowered;
	[smem:$0x3FD2] =	sst s25  }
0xa9: {  	s7 =	sshll.u32 s26, $0x1;
	_ =	strace $0x80000046;
	[dreg:$0x1] =	wrdreg $0xFFFFFFFF  }
0xaa: {  	s28 =	simm.s32 $_size_execute0_lowered;
	s6 =	sadd.s32 s6, s7;
	[dreg:$0x0] =	wrdreg $0x0  }
0xab: {  	s7 =	sshll.u32 s28, $0x1;
	[dreg:$0x2] =	wrdreg s6  }
0xac: {  	[dreg:$0x3] =	wrdreg s7  }
0xad: {  	[dreg:$0x4] =	wrdreg $0xC0  }
0xae: {  	_ =	task [dreg:s10], $0x5FFFF  }
0xaf: {  	[dreg:$0x1] =	wrdreg $0xFFFFFFFF  }
0xb0: {  	[dreg:$0x0] =	wrdreg $0x60  }
0xb1: {  	[dreg:$0x2] =	wrdreg s2  }
0xb2: {  	[dreg:$0x3] =	wrdreg s19  }
0xb3: {  	[dreg:$0x4] =	wrdreg s4  }
0xb4: {  	[dreg:$0x5] =	wrdreg s5  }
0xb5: {  	[dreg:$0x6] =	wrdreg $0x9  }
0xb6: {  	_ =	task.clear_ibuf [dreg:s10], $0x7FFFF;
	_ =	strace $0x90000046  }
0xb7: {  	s29 =	simm.s32 $0x9;
	_ =	strace $0x80000048  }
0xb8: {  	_ =	swait.ge [sflag:s29], $0x1  }
0xb9: {  	[sflag:s29] =	ssyncadd.s32 $0xFFFFFFFF  }
0xba: {  	_ =	strace $0x90000048  }
0xbb: {  	_ =	sfence  }
0xbc: {  	s30 =	sld [smem:$0x0];
	_ =	sdelay $0x2  }
0xbd: {  	s31 =	sshll.u32 s1, $0xD;
	s1 =	sshrl.u32 s1, $0x2  }
0xbe: {  	s3 =	sand.u32 $0x4000, s31;
	s1 =	sadd.s32 s1, s30  }
0xbf: {  	s0 =	sor.u32 s3, s0;
	s1 =	sshll.u32 s1, $0x11  }
0xc0: {  	s0 =	sor.u32 s1, s0  }
0xc1: {  	s0 =	sadd.s32 $0x8F2B, s0  }
0xc2: {  	[sflag:s0] =	ssyncadd.remote.s32 $0x1  }
0xc3: {  	_ =	sfence.sel $0xFFFF  }
0xc4: {  	[dreg:$0x0] =	wrdreg $0xFFFFFFFF;
	(pc) =	sbr.abs _section_cstart, $3  }
0xc5: {  	[dreg:$0x1] =	wrdreg $0xFFFFFFFF  }
0xc6: {  	_ =	task.clear_ibuf [dreg:s10], $0x2FFFF;
	_ =	strace $0x9FFFFFFF  }
0xc7: {  	(tm) =	ssettm $0x7FFFFFFF  }
tec
execute0_lowered:
.L_overlay_start_1:
0x0: {  	(tag) =	ssettag $0x1  }
0x1: {  	s0 =	rddreg [dreg:$0x0]  }
0x2: {  	s1 =	rddreg [dreg:$0x1]  }
0x3: {  	s2 =	rddreg [dreg:$0x2]  }
0x4: {  	s3 =	srdreg.scid;
	s4 =	rddreg [dreg:$0x3]  }
0x5: {  	s6 =	stileid.u32;
	s21 =	simm.s32 $0x3;
	s22 =	simm.s32 $0xB000  }
0x6: {  	s28 =	simm.s32 $0xD800;
	s29 =	simm.s32 $0xE000;
	s10 =	simm.s32 $0x11000  }
0x7: {  	s11 =	simm.s32 $0x11800;
	s12 =	simm.s32 $0x12000;
	s13 =	simm.s32 $0x12800  }
0x8: {  	s14 =	simm.s32 $0x13000;
	s15 =	simm.s32 $0x13800;
	s16 =	simm.s32 $0x14000  }
0x9: {  	s17 =	simm.s32 $0x14800;
	s30 =	simm.s32 $0x15000;
	s31 =	simm.s32 $0x15800  }
0xa: {  	s18 =	simm.s32 $0x1;
	s19 =	simm.s32 $0x2;
	s20 =	simm.s32 $0x0  }
0xb: {  	s5 =	sand.u32 $0x1, s3;
	s6 =	sshll.u32 s6, $0x6;
	s3 =	simm.s32 $0x0  }
0xc: {  	s7 =	sshll.u32 s5, $0x5;
	s5 =	ssub.s32 $0x2, s5;
	[smem:$0x7FF] =	sst s3  }
0xd: {  	s7 =	sor.u32 s7, s6;
	s23 =	sshrl.u32 s5, $0x1;
	_ =	strace $0x80000047  }
0xe: {  	s6 =	sadd.s32 $0x200, s2;
	[dreg:$0x9] =	wrdreg s20;
	s8 =	sshll.u32 s7, $0x4  }
0xf: {  	s9 =	ssub.s32 s5, s23;
	s5 =	sadd.s32 $0x100, s2;
	s24 =	sshll.u32 s7, $0x7  }
0x10: {  	s7 =	sadd.s32 $0x300, s2;
	s23 =	simm.s32 $0xB800;
	s1 =	sadd.s32 s1, s8  }
0x11: {  	s0 =	sadd.s32 s0, s24;
	s25 =	sadd.s32 s4, s8;
	[dreg:$0x5] =	wrdreg s1  }
0x12: {  	s26 =	smax.u32 s9, $0x1;
	s24 =	simm.s32 $0xC000;
	[dreg:$0x6] =	wrdreg s0  }
0x13: {  	v2 =	vlaneseq.u32;
	s4 =	simm.s32 $0xF800;
	s8 =	simm.s32 $0x10000;
	[dreg:$0x7] =	wrdreg s25  }
0x14: {  	vm0 =	vmmov $0xffff;
	v1 =	vshrl.u32 v2, $0x3;
	s9 =	simm.s32 $0x10800;
	[dreg:$0x8] =	wrdreg s26;
	s25 =	simm.s32 $0xC800  }
0x15: {  	v0 =	vand.u32 $0x7, v2;
	v2 =	vor.u32 $0x8, v2;
	v1 =	vmul.u32 $0x8, v1;
	s26 =	simm.s32 $0xD000;
	s0 =	simm.s32 $0xE800;
	s1 =	simm.s32 $0xF000  }
.LBB2_1:
0x16: {  	s20 =	rddreg [dreg:$0x5]  }
0x17: {  	[tilespmem:s3], [sflag:$0x3] =	stream.linear.gather [hbm4b:s20+s3], $0x1000, $0x38;
	[tilespmem:$0x1B000] =	vst v63  }
0x18: {  	_ =	swait.ge [sflag:s21], $0x1000  }
0x19: {  	[sflag:s21] =	ssyncset.done $0x0  }
0x1a: {  	[sflag:s21] =	ssyncadd.s32 $0xFFFFF000  }
0x1b: {  	v3 =	vld [tilespmem:$0x0];
	_ =	sdelay $0x4  }
0x1c: {  	v4 =	vshll.u32 v3, $0x3  }
0x1d: {  	v3 =	vand.u32 $0x7, v3;
	v4 =	vand.u32 $0xFFFFFFC0, v4  }
0x1e: {  	v3 =	vor.u32 v3, v4  }
0x1f: {  	v4 =	vperm.xlane v3, v0;
	_ =	sdelay $0x1  }
0x20: {  	v4 =	vadd.s32 v1, v4;
	_ =	sdelay $0x4  }
0x21: {  	[tilespmem:s22], [sflag:$0x1] =	stream.indirect_vreg.gather [hbm4b:s2+s3], $0x80, v4, vm0, $0xb8;
	[tilespmem:$0x1B000] =	vst v63  }
0x22: {  	v3 =	vperm.xlane v3, v2  }
0x23: {  	[tilespmem:s23], [sflag:$0x1] =	stream.indirect_vreg.gather [hbm4b:s5+s3], $0x80, v4, vm0, $0xb8;
	[tilespmem:$0x1B000] =	vst v63  }
0x24: {  	v3 =	vadd.s32 v1, v3  }
0x25: {  	[tilespmem:s24], [sflag:$0x1] =	stream.indirect_vreg.gather [hbm4b:s6+s3], $0x80, v4, vm0, $0xb8;
	[tilespmem:$0x1B000] =	vst v63  }
0x26: {  	_ = 	snop  }
0x27: {  	[tilespmem:s25], [sflag:$0x1] =	stream.indirect_vreg.gather [hbm4b:s7+s3], $0x80, v4, vm0, $0xb8;
	[tilespmem:$0x1B000] =	vst v63  }
0x28: {  	_ = 	snop  }
0x29: {  	[tilespmem:s26], [sflag:$0x1] =	stream.indirect_vreg.gather [hbm4b:s2+s3], $0x80, v3, vm0, $0xb8;
	[tilespmem:$0x1B000] =	vst v63  }
0x2a: {  	_ = 	snop  }
0x2b: {  	[tilespmem:s28], [sflag:$0x1] =	stream.indirect_vreg.gather [hbm4b:s5+s3], $0x80, v3, vm0, $0xb8;
	[tilespmem:$0x1B000] =	vst v63  }
0x2c: {  	_ = 	snop  }
0x2d: {  	[tilespmem:s29], [sflag:$0x1] =	stream.indirect_vreg.gather [hbm4b:s6+s3], $0x80, v3, vm0, $0xb8;
	[tilespmem:$0x1B000] =	vst v63  }
0x2e: {  	_ = 	snop  }
0x2f: {  	[tilespmem:s0], [sflag:$0x1] =	stream.indirect_vreg.gather [hbm4b:s7+s3], $0x80, v3, vm0, $0xb8;
	[tilespmem:$0x1B000] =	vst v63  }
0x30: {  	v3 =	vld [tilespmem:$0x10];
	_ =	sdelay $0x4  }
0x31: {  	v61 =	vshll.u32 v3, $0x3  }
0x32: {  	v3 =	vand.u32 $0x7, v3;
	v4 =	vand.u32 $0xFFFFFFC0, v61  }
0x33: {  	v3 =	vor.u32 v3, v4  }
0x34: {  	v4 =	vperm.xlane v3, v0;
	_ =	sdelay $0x1  }
0x35: {  	v4 =	vadd.s32 v1, v4;
	_ =	sdelay $0x4  }
0x36: {  	[tilespmem:s1], [sflag:$0x1] =	stream.indirect_vreg.gather [hbm4b:s2+s3], $0x80, v4, vm0, $0xb8;
	[tilespmem:$0x1B000] =	vst v63  }
0x37: {  	v3 =	vperm.xlane v3, v2  }
0x38: {  	[tilespmem:s4], [sflag:$0x1] =	stream.indirect_vreg.gather [hbm4b:s5+s3], $0x80, v4, vm0, $0xb8;
	[tilespmem:$0x1B000] =	vst v63  }
0x39: {  	v3 =	vadd.s32 v1, v3  }
0x3a: {  	[tilespmem:s8], [sflag:$0x1] =	stream.indirect_vreg.gather [hbm4b:s6+s3], $0x80, v4, vm0, $0xb8;
	[tilespmem:$0x1B000] =	vst v63  }
0x3b: {  	_ = 	snop  }
0x3c: {  	[tilespmem:s9], [sflag:$0x1] =	stream.indirect_vreg.gather [hbm4b:s7+s3], $0x80, v4, vm0, $0xb8;
	[tilespmem:$0x1B000] =	vst v63  }
0x3d: {  	_ = 	snop  }
0x3e: {  	[tilespmem:s10], [sflag:$0x1] =	stream.indirect_vreg.gather [hbm4b:s2+s3], $0x80, v3, vm0, $0xb8;
	[tilespmem:$0x1B000] =	vst v63  }
0x3f: {  	_ = 	snop  }
0x40: {  	[tilespmem:s11], [sflag:$0x1] =	stream.indirect_vreg.gather [hbm4b:s5+s3], $0x80, v3, vm0, $0xb8;
	[tilespmem:$0x1B000] =	vst v63  }
0x41: {  	_ = 	snop  }
0x42: {  	[tilespmem:s12], [sflag:$0x1] =	stream.indirect_vreg.gather [hbm4b:s6+s3], $0x80, v3, vm0, $0xb8;
	[tilespmem:$0x1B000] =	vst v63  }
0x43: {  	_ = 	snop  }
0x44: {  	[tilespmem:s13], [sflag:$0x1] =	stream.indirect_vreg.gather [hbm4b:s7+s3], $0x80, v3, vm0, $0xb8;
	[tilespmem:$0x1B000] =	vst v63  }
0x45: {  	v3 =	vld [tilespmem:$0x20];
	_ =	sdelay $0x4  }
0x46: {  	v62 =	vshll.u32 v3, $0x3  }
0x47: {  	v3 =	vand.u32 $0x7, v3;
	v4 =	vand.u32 $0xFFFFFFC0, v62  }
0x48: {  	v3 =	vor.u32 v3, v4  }
0x49: {  	v4 =	vperm.xlane v3, v0;
	_ =	sdelay $0x1  }
0x4a: {  	v4 =	vadd.s32 v1, v4;
	_ =	sdelay $0x4  }
0x4b: {  	[tilespmem:s14], [sflag:$0x2] =	stream.indirect_vreg.gather [hbm4b:s2+s3], $0x80, v4, vm0, $0xb8;
	[tilespmem:$0x1B000] =	vst v63  }
0x4c: {  	v3 =	vperm.xlane v3, v2  }
0x4d: {  	[tilespmem:s15], [sflag:$0x2] =	stream.indirect_vreg.gather [hbm4b:s5+s3], $0x80, v4, vm0, $0xb8;
	[tilespmem:$0x1B000] =	vst v63  }
0x4e: {  	v3 =	vadd.s32 v1, v3  }
0x4f: {  	[tilespmem:s16], [sflag:$0x2] =	stream.indirect_vreg.gather [hbm4b:s6+s3], $0x80, v4, vm0, $0xb8;
	[tilespmem:$0x1B000] =	vst v63  }
0x50: {  	_ = 	snop  }
0x51: {  	[tilespmem:s17], [sflag:$0x2] =	stream.indirect_vreg.gather [hbm4b:s7+s3], $0x80, v4, vm0, $0xb8;
	[tilespmem:$0x1B000] =	vst v63  }
0x52: {  	_ = 	snop  }
0x53: {  	[tilespmem:s30], [sflag:$0x2] =	stream.indirect_vreg.gather [hbm4b:s2+s3], $0x80, v3, vm0, $0xb8;
	[tilespmem:$0x1B000] =	vst v63  }
0x54: {  	_ = 	snop  }
0x55: {  	[tilespmem:s31], [sflag:$0x2] =	stream.indirect_vreg.gather [hbm4b:s5+s3], $0x80, v3, vm0, $0xb8;
	[tilespmem:$0x1B000] =	vst v63  }
0x56: {  	s12 =	simm.s32 $0x16000  }
0x57: {  	[tilespmem:s12], [sflag:$0x2] =	stream.indirect_vreg.gather [hbm4b:s6+s3], $0x80, v3, vm0, $0xb8;
	[tilespmem:$0x1B000] =	vst v63  }
0x58: {  	s13 =	simm.s32 $0x16800  }
0x59: {  	[tilespmem:s13], [sflag:$0x2] =	stream.indirect_vreg.gather [hbm4b:s7+s3], $0x80, v3, vm0, $0xb8;
	[tilespmem:$0x1B000] =	vst v63  }
0x5a: {  	v3 =	vld [tilespmem:$0x30];
	_ =	sdelay $0x4  }
0x5b: {  	v63 =	vshll.u32 v3, $0x3  }
0x5c: {  	v3 =	vand.u32 $0x7, v3;
	v4 =	vand.u32 $0xFFFFFFC0, v63  }
0x5d: {  	v3 =	vor.u32 v3, v4  }
0x5e: {  	v4 =	vperm.xlane v3, v0;
	_ =	sdelay $0x1  }
0x5f: {  	v4 =	vadd.s32 v1, v4;
	_ =	sdelay $0x3  }
0x60: {  	s14 =	simm.s32 $0x17000  }
0x61: {  	[tilespmem:s14], [sflag:$0x2] =	stream.indirect_vreg.gather [hbm4b:s2+s3], $0x80, v4, vm0, $0xb8;
	[tilespmem:$0x1B000] =	vst v63  }
0x62: {  	s15 =	simm.s32 $0x17800;
	v3 =	vperm.xlane v3, v2  }
0x63: {  	[tilespmem:s15], [sflag:$0x2] =	stream.indirect_vreg.gather [hbm4b:s5+s3], $0x80, v4, vm0, $0xb8;
	[tilespmem:$0x1B000] =	vst v63  }
0x64: {  	s16 =	simm.s32 $0x18000;
	v3 =	vadd.s32 v1, v3  }
0x65: {  	[tilespmem:s16], [sflag:$0x2] =	stream.indirect_vreg.gather [hbm4b:s6+s3], $0x80, v4, vm0, $0xb8;
	[tilespmem:$0x1B000] =	vst v63  }
0x66: {  	s20 =	simm.s32 $0x19000;
	s17 =	simm.s32 $0x18800  }
0x67: {  	[tilespmem:s17], [sflag:$0x2] =	stream.indirect_vreg.gather [hbm4b:s7+s3], $0x80, v4, vm0, $0xb8;
	[tilespmem:$0x1B000] =	vst v63  }
0x68: {  	s22 =	simm.s32 $0x19800;
	s23 =	simm.s32 $0x1A000;
	s24 =	simm.s32 $0x1A800  }
0x69: {  	[tilespmem:s20], [sflag:$0x2] =	stream.indirect_vreg.gather [hbm4b:s2+s3], $0x80, v3, vm0, $0xb8;
	[tilespmem:$0x1B000] =	vst v63  }
0x6a: {  	s25 =	rddreg [dreg:$0x6];
	s26 =	simm.s32 $0x1000;
	s28 =	simm.s32 $0xC800  }
0x6b: {  	[tilespmem:s22], [sflag:$0x2] =	stream.indirect_vreg.gather [hbm4b:s5+s3], $0x80, v3, vm0, $0xb8;
	[tilespmem:$0x1B000] =	vst v63  }
0x6c: {  	s29 =	simm.s32 $0xD000;
	s0 =	simm.s32 $0xE800;
	s1 =	simm.s32 $0xF000  }
0x6d: {  	[tilespmem:s23], [sflag:$0x2] =	stream.indirect_vreg.gather [hbm4b:s6+s3], $0x80, v3, vm0, $0xb8;
	[tilespmem:$0x1B000] =	vst v63  }
0x6e: {  	s4 =	simm.s32 $0xF800;
	s8 =	simm.s32 $0x10000;
	s9 =	simm.s32 $0x10800  }
0x6f: {  	[tilespmem:s24], [sflag:$0x2] =	stream.indirect_vreg.gather [hbm4b:s7+s3], $0x80, v3, vm0, $0xb8;
	[tilespmem:$0x1B000] =	vst v63  }
0x70: {  	s10 =	simm.s32 $0x11000;
	s11 =	simm.s32 $0x11800;
	s30 =	simm.s32 $0xD800  }
0x71: {  	[tilespmem:s26], [sflag:$0x3] =	stream.linear.gather [hbm4b:s25+s3], $0x8000, $0x38;
	[tilespmem:$0x1B000] =	vst v63  }
0x72: {  	s31 =	simm.s32 $0x15800;
	s12 =	simm.s32 $0x12000;
	_ =	swait.ge [sflag:s21], $0x8000  }
0x73: {  	s13 =	simm.s32 $0x12800;
	s14 =	simm.s32 $0x13000;
	[sflag:s21] =	ssyncset.done $0x0  }
0x74: {  	s15 =	simm.s32 $0x13800;
	s16 =	simm.s32 $0x14000;
	[sflag:s21] =	ssyncadd.s32 $0xFFFF8000  }
0x75: {  	s17 =	simm.s32 $0x14800;
	s20 =	simm.s32 $0x60;
	_ =	swait.ge [sflag:s18], $0x8000  }
0x76: {  	s24 =	simm.s32 $0xB000;
	s26 =	simm.s32 $0x15000;
	[sflag:s18] =	ssyncset.done $0x0  }
0x77: {  	s25 =	simm.s32 $0xB800;
	s21 =	simm.s32 $0x180;
	[sflag:s18] =	ssyncadd.s32 $0xFFFF8000  }
.LBB2_2:
0x78: {  	s22 =	sadd.s32 $0xFFFFFF80, s21  }
0x79: {  	s23 =	sadd.s32 $0xFFFFFFE0, s20;
	s22 =	sand.u32 $0x7E00, s22  }
0x7a: {  	s23 =	sand.u32 $0x40, s23;
	s22 =	sshrl.u32 s22, $0x2  }
0x7b: {  	s22 =	sor.u32 s23, s22  }
0x7c: {  	v3 =	vld [tilespmem:s22+$0x0];
	_ =	sdelay $0x4  }
0x7d: {  	v4 =	vshll.u32 v3, $0x3  }
0x7e: {  	v3 =	vand.u32 $0x7, v3;
	v4 =	vand.u32 $0xFFFFFFC0, v4  }
0x7f: {  	v3 =	vor.u32 v3, v4  }
0x80: {  	v4 =	vperm.xlane v3, v0;
	_ =	sdelay $0x1  }
0x81: {  	v4 =	vadd.s32 v1, v4;
	_ =	sdelay $0x4  }
0x82: {  	[tilespmem:s24], [sflag:$0x1] =	stream.indirect_vreg.gather [hbm4b:s2+s3], $0x80, v4, vm0, $0xb8;
	[tilespmem:$0x1B000] =	vst v63  }
0x83: {  	v3 =	vperm.xlane v3, v2  }
0x84: {  	[tilespmem:s25], [sflag:$0x1] =	stream.indirect_vreg.gather [hbm4b:s5+s3], $0x80, v4, vm0, $0xb8;
	[tilespmem:$0x1B000] =	vst v63  }
0x85: {  	s23 =	simm.s32 $0xC000;
	v3 =	vadd.s32 v1, v3  }
0x86: {  	[tilespmem:s23], [sflag:$0x1] =	stream.indirect_vreg.gather [hbm4b:s6+s3], $0x80, v4, vm0, $0xb8;
	[tilespmem:$0x1B000] =	vst v63  }
0x87: {  	_ = 	snop  }
0x88: {  	[tilespmem:s28], [sflag:$0x1] =	stream.indirect_vreg.gather [hbm4b:s7+s3], $0x80, v4, vm0, $0xb8;
	[tilespmem:$0x1B000] =	vst v63  }
0x89: {  	_ = 	snop  }
0x8a: {  	[tilespmem:s29], [sflag:$0x1] =	stream.indirect_vreg.gather [hbm4b:s2+s3], $0x80, v3, vm0, $0xb8;
	[tilespmem:$0x1B000] =	vst v63  }
0x8b: {  	_ = 	snop  }
0x8c: {  	[tilespmem:s30], [sflag:$0x1] =	stream.indirect_vreg.gather [hbm4b:s5+s3], $0x80, v3, vm0, $0xb8;
	[tilespmem:$0x1B000] =	vst v63  }
0x8d: {  	s23 =	simm.s32 $0xE000  }
0x8e: {  	[tilespmem:s23], [sflag:$0x1] =	stream.indirect_vreg.gather [hbm4b:s6+s3], $0x80, v3, vm0, $0xb8;
	[tilespmem:$0x1B000] =	vst v63  }
0x8f: {  	_ = 	snop  }
0x90: {  	[tilespmem:s0], [sflag:$0x1] =	stream.indirect_vreg.gather [hbm4b:s7+s3], $0x80, v3, vm0, $0xb8;
	[tilespmem:$0x1B000] =	vst v63  }
0x91: {  	v3 =	vld [tilespmem:s22+$0x10];
	_ =	sdelay $0x4  }
0x92: {  	v61 =	vshll.u32 v3, $0x3  }
0x93: {  	v3 =	vand.u32 $0x7, v3;
	v4 =	vand.u32 $0xFFFFFFC0, v61  }
0x94: {  	v3 =	vor.u32 v3, v4  }
0x95: {  	v4 =	vperm.xlane v3, v0;
	_ =	sdelay $0x1  }
0x96: {  	v4 =	vadd.s32 v1, v4;
	_ =	sdelay $0x4  }
0x97: {  	[tilespmem:s1], [sflag:$0x1] =	stream.indirect_vreg.gather [hbm4b:s2+s3], $0x80, v4, vm0, $0xb8;
	[tilespmem:$0x1B000] =	vst v63  }
0x98: {  	v3 =	vperm.xlane v3, v2  }
0x99: {  	[tilespmem:s4], [sflag:$0x1] =	stream.indirect_vreg.gather [hbm4b:s5+s3], $0x80, v4, vm0, $0xb8;
	[tilespmem:$0x1B000] =	vst v63  }
0x9a: {  	v3 =	vadd.s32 v1, v3  }
0x9b: {  	[tilespmem:s8], [sflag:$0x1] =	stream.indirect_vreg.gather [hbm4b:s6+s3], $0x80, v4, vm0, $0xb8;
	[tilespmem:$0x1B000] =	vst v63  }
0x9c: {  	_ = 	snop  }
0x9d: {  	[tilespmem:s9], [sflag:$0x1] =	stream.indirect_vreg.gather [hbm4b:s7+s3], $0x80, v4, vm0, $0xb8;
	[tilespmem:$0x1B000] =	vst v63  }
0x9e: {  	_ = 	snop  }
0x9f: {  	[tilespmem:s10], [sflag:$0x1] =	stream.indirect_vreg.gather [hbm4b:s2+s3], $0x80, v3, vm0, $0xb8;
	[tilespmem:$0x1B000] =	vst v63  }
0xa0: {  	_ = 	snop  }
0xa1: {  	[tilespmem:s11], [sflag:$0x1] =	stream.indirect_vreg.gather [hbm4b:s5+s3], $0x80, v3, vm0, $0xb8;
	[tilespmem:$0x1B000] =	vst v63  }
0xa2: {  	_ = 	snop  }
0xa3: {  	[tilespmem:s12], [sflag:$0x1] =	stream.indirect_vreg.gather [hbm4b:s6+s3], $0x80, v3, vm0, $0xb8;
	[tilespmem:$0x1B000] =	vst v63  }
0xa4: {  	_ = 	snop  }
0xa5: {  	[tilespmem:s13], [sflag:$0x1] =	stream.indirect_vreg.gather [hbm4b:s7+s3], $0x80, v3, vm0, $0xb8;
	[tilespmem:$0x1B000] =	vst v63  }
0xa6: {  	s22 =	sand.u32 $0x7E00, s21;
	_ =	swait.ge [sflag:s19], $0x8000  }
0xa7: {  	s23 =	sand.u32 $0x60, s20;
	s22 =	sshrl.u32 s22, $0x2;
	[sflag:s19] =	ssyncset.done $0x0  }
0xa8: {  	s22 =	sor.u32 s23, s22;
	[sflag:s19] =	ssyncadd.s32 $0xFFFF8000  }
0xa9: {  	v3 =	vld [tilespmem:s22+$0x0];
	_ =	sdelay $0x4  }
0xaa: {  	v62 =	vshll.u32 v3, $0x3  }
0xab: {  	v3 =	vand.u32 $0x7, v3;
	v4 =	vand.u32 $0xFFFFFFC0, v62  }
0xac: {  	v3 =	vor.u32 v3, v4  }
0xad: {  	v4 =	vperm.xlane v3, v0;
	_ =	sdelay $0x1  }
0xae: {  	v4 =	vadd.s32 v1, v4;
	_ =	sdelay $0x4  }
0xaf: {  	[tilespmem:s14], [sflag:$0x2] =	stream.indirect_vreg.gather [hbm4b:s2+s3], $0x80, v4, vm0, $0xb8;
	[tilespmem:$0x1B000] =	vst v63  }
0xb0: {  	v3 =	vperm.xlane v3, v2  }
0xb1: {  	[tilespmem:s15], [sflag:$0x2] =	stream.indirect_vreg.gather [hbm4b:s5+s3], $0x80, v4, vm0, $0xb8;
	[tilespmem:$0x1B000] =	vst v63  }
0xb2: {  	v3 =	vadd.s32 v1, v3  }
0xb3: {  	[tilespmem:s16], [sflag:$0x2] =	stream.indirect_vreg.gather [hbm4b:s6+s3], $0x80, v4, vm0, $0xb8;
	[tilespmem:$0x1B000] =	vst v63  }
0xb4: {  	_ = 	snop  }
0xb5: {  	[tilespmem:s17], [sflag:$0x2] =	stream.indirect_vreg.gather [hbm4b:s7+s3], $0x80, v4, vm0, $0xb8;
	[tilespmem:$0x1B000] =	vst v63  }
0xb6: {  	_ = 	snop  }
0xb7: {  	[tilespmem:s26], [sflag:$0x2] =	stream.indirect_vreg.gather [hbm4b:s2+s3], $0x80, v3, vm0, $0xb8;
	[tilespmem:$0x1B000] =	vst v63  }
0xb8: {  	_ = 	snop  }
0xb9: {  	[tilespmem:s31], [sflag:$0x2] =	stream.indirect_vreg.gather [hbm4b:s5+s3], $0x80, v3, vm0, $0xb8;
	[tilespmem:$0x1B000] =	vst v63  }
0xba: {  	s23 =	simm.s32 $0x16000  }
0xbb: {  	[tilespmem:s23], [sflag:$0x2] =	stream.indirect_vreg.gather [hbm4b:s6+s3], $0x80, v3, vm0, $0xb8;
	[tilespmem:$0x1B000] =	vst v63  }
0xbc: {  	s23 =	simm.s32 $0x16800  }
0xbd: {  	[tilespmem:s23], [sflag:$0x2] =	stream.indirect_vreg.gather [hbm4b:s7+s3], $0x80, v3, vm0, $0xb8;
	[tilespmem:$0x1B000] =	vst v63  }
0xbe: {  	v3 =	vld [tilespmem:s22+$0x10];
	_ =	sdelay $0x4  }
0xbf: {  	v63 =	vshll.u32 v3, $0x3  }
0xc0: {  	v3 =	vand.u32 $0x7, v3;
	v4 =	vand.u32 $0xFFFFFFC0, v63  }
0xc1: {  	v3 =	vor.u32 v3, v4  }
0xc2: {  	v4 =	vperm.xlane v3, v0;
	_ =	sdelay $0x1  }
0xc3: {  	v4 =	vadd.s32 v1, v4;
	_ =	sdelay $0x3  }
0xc4: {  	s23 =	simm.s32 $0x17000  }
0xc5: {  	[tilespmem:s23], [sflag:$0x2] =	stream.indirect_vreg.gather [hbm4b:s2+s3], $0x80, v4, vm0, $0xb8;
	[tilespmem:$0x1B000] =	vst v63  }
0xc6: {  	s22 =	simm.s32 $0x17800;
	v3 =	vperm.xlane v3, v2  }
0xc7: {  	[tilespmem:s22], [sflag:$0x2] =	stream.indirect_vreg.gather [hbm4b:s5+s3], $0x80, v4, vm0, $0xb8;
	[tilespmem:$0x1B000] =	vst v63  }
0xc8: {  	v3 =	vadd.s32 v1, v3;
	s23 =	simm.s32 $0x18000  }
0xc9: {  	[tilespmem:s23], [sflag:$0x2] =	stream.indirect_vreg.gather [hbm4b:s6+s3], $0x80, v4, vm0, $0xb8;
	[tilespmem:$0x1B000] =	vst v63  }
0xca: {  	s22 =	simm.s32 $0x18800  }
0xcb: {  	[tilespmem:s22], [sflag:$0x2] =	stream.indirect_vreg.gather [hbm4b:s7+s3], $0x80, v4, vm0, $0xb8;
	[tilespmem:$0x1B000] =	vst v63  }
0xcc: {  	s23 =	simm.s32 $0x19000  }
0xcd: {  	[tilespmem:s23], [sflag:$0x2] =	stream.indirect_vreg.gather [hbm4b:s2+s3], $0x80, v3, vm0, $0xb8;
	[tilespmem:$0x1B000] =	vst v63  }
0xce: {  	s22 =	simm.s32 $0x19800  }
0xcf: {  	[tilespmem:s22], [sflag:$0x2] =	stream.indirect_vreg.gather [hbm4b:s5+s3], $0x80, v3, vm0, $0xb8;
	[tilespmem:$0x1B000] =	vst v63  }
0xd0: {  	p0 =	sne.s32 s20, $0xFE0;
	s23 =	simm.s32 $0x1A000  }
0xd1: {  	[tilespmem:s23], [sflag:$0x2] =	stream.indirect_vreg.gather [hbm4b:s6+s3], $0x80, v3, vm0, $0xb8;
	[tilespmem:$0x1B000] =	vst v63  }
.Ltmp0:
0xd2: {  	s23 =	simm.s32 $0x1A800;
	(pc) =	sbr.rel @p0 .LBB2_2-.Ltmp0, $4  }
0xd3: {  	[tilespmem:s23], [sflag:$0x2] =	stream.indirect_vreg.gather [hbm4b:s7+s3], $0x80, v3, vm0, $0xb8;
	[tilespmem:$0x1B000] =	vst v63  }
0xd4: {  	_ =	swait.ge [sflag:s18], $0x8000  }
0xd5: {  	[sflag:s18] =	ssyncset.done $0x0  }
0xd6: {  	s20 =	sadd.s32 $0x40, s20;
	s21 =	sadd.s32 $0x100, s21;
	[sflag:s18] =	ssyncadd.s32 $0xFFFF8000  }
0xd7: {  	_ =	swait.ge [sflag:s19], $0x8000  }
0xd8: {  	[sflag:s19] =	ssyncset.done $0x0  }
0xd9: {  	s20 =	simm.s32 $0x0;
	[sflag:s19] =	ssyncadd.s32 $0xFFFF8000  }
0xda: {  	s21 =	simm.s32 $0x40;
	v3 =	vld [tilespmem:s20+$0xA000]  }
.LBB2_4:
0xdb: {  	p0 =	sne.s32 s21, $0x3FC0;
	v4 =	vld [tilespmem:s20+$0x9000];
	_ =	sdelay $0x2  }
.Ltmp1:
0xdc: {  	(pc) =	sbr.rel @p0 .LBB2_4-.Ltmp1, $4  }
0xdd: {  	_ = 	snop  }
0xde: {  	v4 =	vadd.f32 v3, v4  }
0xdf: {  	s22 =	sshra.s32 s21, $0x2  }
0xe0: {  	s21 =	sadd.s32 $0x40, s21;
	v3 =	vld [tilespmem:s22+$0xA000];
	[tilespmem:s20+$0x9000] =	vst v4;
	s20 =	smov.u32 s22  }
0xe1: {  	v4 =	vld [tilespmem:s20+$0x9000];
	_ =	sdelay $0x4  }
0xe2: {  	s24 =	rddreg [dreg:$0x7];
	v3 =	vadd.f32 v3, v4  }
0xe3: {  	s0 =	simm.s32 $0x9000;
	s21 =	simm.s32 $0x3;
	s22 =	simm.s32 $0xB000  }
0xe4: {  	s23 =	simm.s32 $0xB800;
	s28 =	simm.s32 $0xD800;
	s29 =	simm.s32 $0xE000;
	[tilespmem:s20+$0x9000] =	vst v3  }
0xe5: {  	[hbm4b:s24+s3] =	stream.linear.scatter [tilespmem:s0], [sflag:$0x3], $0x1000, $0x38;
	[tilespmem:$0x1B000] =	vst v63  }
0xe6: {  	s1 =	simm.s32 $0xF000;
	s4 =	simm.s32 $0xF800;
	_ =	swait.ge [sflag:s21], $0x1000  }
0xe7: {  	s8 =	simm.s32 $0x10000;
	s9 =	simm.s32 $0x10800;
	s25 =	rddreg [dreg:$0x9]  }
0xe8: {  	s10 =	simm.s32 $0x11000;
	s26 =	rddreg [dreg:$0x8];
	s0 =	sadd.s32 $0x1, s25  }
0xe9: {  	s11 =	simm.s32 $0x11800;
	s12 =	simm.s32 $0x12000;
	p0 =	sne.s32 s0, s26  }
.Ltmp2:
0xea: {  	s13 =	simm.s32 $0x12800;
	s14 =	simm.s32 $0x13000;
	(pc) =	sbr.rel @p0 .LBB2_1-.Ltmp2, $4  }
0xeb: {  	s15 =	simm.s32 $0x13800;
	s16 =	simm.s32 $0x14000;
	s17 =	simm.s32 $0x14800  }
0xec: {  	s30 =	simm.s32 $0x15000;
	s31 =	simm.s32 $0x15800;
	[sflag:s21] =	ssyncset.done $0x0  }
0xed: {  	s24 =	simm.s32 $0xC000;
	[sflag:s21] =	ssyncadd.s32 $0xFFFFF000;
	s25 =	simm.s32 $0xC800  }
0xee: {  	[dreg:$0x9] =	wrdreg s0;
	s26 =	simm.s32 $0xD000;
	s0 =	simm.s32 $0xE800  }
0xef: {  	_ =	sfence.sel $0x180000  }
0xf0: {  	[bflag:$0x0] =	sbarrier.arrive $0xFFFF  }
0xf1: {  	_ =	strace $0x90000047  }
0xf2: {  	s0 =	stileid.u32;
	[bflag:$0x2] =	sbarrier.arrive $0xFFFF  }
0xf3: {  	p0 =	sne.s32 s0, $0x0;
	s0 =	rddreg [dreg:$0x4]  }
0xf4: {  	s0 =	sadd.s32 @!p0 $0x100000, s0  }
0xf5: {  	[sflag:s0] =	ssyncadd.tile.s32 @!p0 $0x1;
	_ =	shalt  }
.Lfunc_end2:
_tile_overlayer_lowered:
.L_overlay_start_2:
0xf6: {  	(tag) =	ssettag $0x2  }
0xf7: {  	s0 =	rddreg [dreg:$0x0];
	s2 =	stileid.u32  }
0xf8: {  	s1 =	rddreg [dreg:$0x1];
	p0 =	sne.s32 s2, $0x0  }
0xf9: {  	s3 =	rddreg [dreg:$0x2];
	[bflag:$0x3] =	sbarrier.arrive $0xFFFF;
	s2 =	simm.s32 @!p0 $0x1C03  }
0xfa: {  	[timem:s3], [sflag:s2] =	dma.local @!p0 [hbm:s0], s1  }
0xfb: {  	s0 =	simm.s32 @!p0 $0x3  }
0xfc: {  	_ =	swait.ge @!p0 [sflag:s0], s1  }
0xfd: {  	s1 =	ssub.s32 @!p0 $0x0, s1;
	[sflag:s0] =	ssyncset.done @!p0 $0x0  }
0xfe: {  	[sflag:s0] =	ssyncadd.s32 @!p0 s1  }
0xff: {  	[bflag:$0x3] =	sbarrier.arrive $0xFFFF  }
0x100: {  	_ =	shalt  }

</sc_bundles>
